<compile_context>
chip_gen: v7x
topology: tpu7x:2x2x1
jax: 0.10.2.dev20260603
libtpu: 0.0.44.dev20260713+nightly
codegen_flags: <defaults>
</compile_context>

<pallas_src>
import functools

import jax
import jax.numpy as jnp
from jax import lax
from jax.experimental import pallas as pl
from jax.experimental.pallas import tpu as pltpu
from jax.experimental.pallas import tpu_sc as plsc

B = 4096
S = 200
E = 64
UNITS = 256

NC = 2
NS = 16
NW = NC * NS
NBUF = 4
LANES = 16
EV = E // LANES
NSPLIT = 1
BH = B // NSPLIT

_sc_mesh = plsc.VectorSubcoreMesh(
    core_axis_name="c", subcore_axis_name="s", num_cores=NC, num_subcores=NS
)


def _make_pool_sc(nb):
    bpw = nb // NW

    @functools.partial(
        pl.kernel,
        out_type=jax.ShapeDtypeStruct((nb, E), jnp.float32),
        mesh=_sc_mesh,
        scratch_types=[
            pltpu.VMEM((bpw, S), jnp.int32),
            pltpu.VMEM((NBUF, S, E), jnp.float32),
            pltpu.VMEM((bpw, E), jnp.float32),
            pltpu.SemaphoreType.DMA((NBUF,)),
        ],
        compiler_params=pltpu.CompilerParams(use_tc_tiling_on_sc=False),
    )
    def _pool_sc(x_hbm, table_hbm, out_hbm, idx_v, bufs, out_v, sems):
        wid = lax.axis_index("s") * NC + lax.axis_index("c")
        base = wid * bpw
        pltpu.sync_copy(x_hbm.at[pl.ds(base, bpw)], idx_v)

        inv_s = jnp.full((LANES,), 1.0 / S, dtype=jnp.float32)

        def issue(r, slot):
            pltpu.async_copy(
                table_hbm.at[idx_v.at[r]], bufs.at[slot], sems.at[slot]
            )

        def wait(r, slot):
            pltpu.make_async_copy(
                table_hbm.at[idx_v.at[r]], bufs.at[slot], sems.at[slot]
            ).wait()

        for b in range(NBUF):
            issue(b, b)

        zero16 = jnp.zeros((LANES,), jnp.float32)

        def row_body(r, _):
            slot = lax.rem(r, NBUF)
            wait(r, slot)
            init = (tuple(zero16 for _ in range(EV)),
                    tuple(zero16 for _ in range(EV)))

            @plsc.parallel_loop(0, S, step=2, unroll=4, carry=init)
            def jloop(j, carry):
                acc_a, acc_b = carry
                new_a = tuple(
                    acc_a[k] + bufs[slot, j, pl.ds(k * LANES, LANES)]
                    for k in range(EV)
                )
                new_b = tuple(
                    acc_b[k] + bufs[slot, j + 1, pl.ds(k * LANES, LANES)]
                    for k in range(EV)
                )
                return (new_a, new_b)

            acc_a, acc_b = jloop
            issue(jnp.minimum(r + NBUF, bpw - 1), slot)
            for k in range(EV):
                out_v[r, pl.ds(k * LANES, LANES)] = (acc_a[k] + acc_b[k]) * inv_s
            return ()

        lax.fori_loop(0, bpw, row_body, ())
        for b in range(NBUF):
            wait(bpw - 1, b)
        pltpu.sync_copy(out_v, out_hbm.at[pl.ds(base, bpw)])

    return _pool_sc


_pool_sc_half = _make_pool_sc(BH)


BT = 512


def _mlp_tc(pooled_ref, w1_ref, b1_ref, w2_ref, b2_ref, out_ref):
    h = jnp.maximum(
        jnp.dot(pooled_ref[:], w1_ref[:], preferred_element_type=jnp.float32)
        + b1_ref[:],
        0.0,
    )
    logit = jnp.sum(h * w2_ref[:], axis=1, keepdims=True) + b2_ref[:]
    out_ref[:] = jax.nn.sigmoid(logit)


def _mlp(pooled, W1, b1, W2, b2):
    nb = pooled.shape[0]
    return pl.pallas_call(
        _mlp_tc,
        grid=(nb // BT,),
        in_specs=[
            pl.BlockSpec((BT, E), lambda i: (i, 0)),
            pl.BlockSpec((E, UNITS), lambda i: (0, 0)),
            pl.BlockSpec((1, UNITS), lambda i: (0, 0)),
            pl.BlockSpec((1, UNITS), lambda i: (0, 0)),
            pl.BlockSpec((1, 1), lambda i: (0, 0)),
        ],
        out_specs=pl.BlockSpec((BT, 1), lambda i: (i, 0)),
        out_shape=jax.ShapeDtypeStruct((nb, 1), jnp.float32),
    )(pooled, W1, b1.reshape(1, UNITS), W2.reshape(1, UNITS), b2.reshape(1, 1))


def kernel(x, table, W1, b1, W2, b2):
    pooled = _pool_sc_half(x, table)
    return _mlp(pooled, W1, b1, W2, b2)

# --- scband reference (transcript-rebuilt; emitter-appended) ---
"""Pipeline reference for scband-spam-dection-model-89146341195978 (READ-ONLY COPY).

The authoritative reference and input builder live on the scoring server;
editing this copy changes nothing except your own understanding.
"""

import jax, jax.numpy as jnp
import numpy as np

VOCAB = 100000
EMBED = 64
SEQ = 200
BATCH = 4096
UNITS = 256

def setup_inputs(seed: int = 0) -> dict:
    key = jax.random.key(seed)
    k_x, k_emb, k_w1, k_b1, k_w2, k_b2 = jax.random.split(key, 6)
    x = jax.random.randint(k_x, (BATCH, SEQ), 0, VOCAB, dtype=jnp.int32).astype(jnp.int64)
    # learned params
    table = jax.random.normal(k_emb, (VOCAB, EMBED), dtype=jnp.float32) * 0.05
    W1 = jax.random.normal(k_w1, (EMBED, UNITS), dtype=jnp.float32) * (1.0 / np.sqrt(EMBED))
    b1 = jnp.zeros((UNITS,), dtype=jnp.float32)
    W2 = jax.random.normal(k_w2, (UNITS, 1), dtype=jnp.float32) * (1.0 / np.sqrt(UNITS))
    b2 = jnp.zeros((1,), dtype=jnp.float32)
    return {"x": x, "table": table, "W1": W1, "b1": b1, "W2": W2, "b2": b2}

def reference(x, table, W1, b1, W2, b2):
    # Embedding lookup: [B, S] -> [B, S, E]
    emb = jnp.take(table, x, axis=0)
    # GlobalAveragePooling1D over sequence axis
    pooled = jnp.mean(emb, axis=1)
    # Dense(hp_units, relu); dropout is inference no-op
    h = jax.nn.relu(pooled @ W1 + b1)
    # Dense(1, sigmoid)
    out = jax.nn.sigmoid(h @ W2 + b2)
    return out

if __name__ == "__main__":
    import jax
    _d = setup_inputs()
    print(jax.jit(kernel)(*tuple(_d.values())))

</pallas_src>

<mosaic_0001>
#map = affine_map<(d0, d1) -> (0, 0)>
module attributes {stable_mosaic.version = 14 : i64} {
  func.func @_pool_sc(%arg0: i32, %arg1: i32, %arg2: memref<4096x200xi32, #tpu.memory_space<hbm>>, %arg3: memref<100000x64xf32, #tpu.memory_space<hbm>>, %arg4: memref<4096x64xf32, #tpu.memory_space<hbm>>, %arg5: memref<128x200xi32, #tpu.memory_space<vmem>>, %arg6: memref<4x200x64xf32, #tpu.memory_space<vmem>>, %arg7: memref<128x64xf32, #tpu.memory_space<vmem>>, %arg8: memref<4x!tpu.dma_semaphore, #tpu.memory_space<semaphore_mem>>) attributes {dimension_semantics = [#tpu.dimension_semantics<core_parallel>, #tpu.dimension_semantics<subcore_parallel>], iteration_bounds = array<i64: 2, 16>, scalar_prefetch = 0 : i64, scratch_operands = 4 : i64, tpu.core_type = #tpu.core_type<sc_vector_subcore>, window_params = [{transform_indices = #map}, {transform_indices = #map}, {transform_indices = #map}]} {
    %mul3A = arith.constant 2 : i32
    %mul3A_0 = arith.muli %arg1, %mul3A : i32
    %add3A = arith.addi %mul3A_0, %arg0 : i32
    %mul3A_1 = arith.constant 128 : i32
    %mul3A_2 = arith.muli %add3A, %mul3A_1 : i32
    "tpu.region"() ({
      %run_scoped3A = tpu.sem_alloc : memref<!tpu.dma_semaphore, #tpu.memory_space<semaphore_mem>>
      %dma_start3A_128 = arith.constant 0 : i32
      %dma_start3A_129 = tpu.memref_slice %arg2[%mul3A_2, %dma_start3A_128] : memref<4096x200xi32, #tpu.memory_space<hbm>> -> memref<128x200xi32, #tpu.memory_space<hbm>>
      %dma_start3A_130 = arith.constant 0 : i32
      %dma_start3A_131 = tpu.memref_slice %arg2[%mul3A_2, %dma_start3A_130] : memref<4096x200xi32, #tpu.memory_space<hbm>> -> memref<128x200xi32, #tpu.memory_space<hbm>>
      tpu.enqueue_dma source(%dma_start3A_131 : memref<128x200xi32, #tpu.memory_space<hbm>>) target(%arg5 : memref<128x200xi32, #tpu.memory_space<vmem>>) target_semaphore(%run_scoped3A : memref<!tpu.dma_semaphore, #tpu.memory_space<semaphore_mem>>)
      %dma_wait3A_132 = arith.constant 0 : i32
      %dma_wait3A_133 = tpu.memref_slice %arg2[%mul3A_2, %dma_wait3A_132] : memref<4096x200xi32, #tpu.memory_space<hbm>> -> memref<128x200xi32, #tpu.memory_space<hbm>>
      %dma_wait3A_134 = arith.constant 0 : i32
      %dma_wait3A_135 = tpu.memref_slice %arg2[%mul3A_2, %dma_wait3A_134] : memref<4096x200xi32, #tpu.memory_space<hbm>> -> memref<128x200xi32, #tpu.memory_space<hbm>>
      tpu.wait_dma2 semaphore(%run_scoped3A : memref<!tpu.dma_semaphore, #tpu.memory_space<semaphore_mem>>) src(%dma_wait3A_135 : memref<128x200xi32, #tpu.memory_space<hbm>>) dst(%arg5 : memref<128x200xi32, #tpu.memory_space<vmem>>)
      tpu.yield
    }) : () -> ()
    %broadcast_in_dim3A = arith.constant 5.000000e-03 : f32
    %broadcast_in_dim3A_3 = vector.broadcast %broadcast_in_dim3A : f32 to vector<16xf32>
    %dma_start3A = arith.constant 0 : i32
    %dma_start3A_4 = arith.constant 0 : i32
    %dma_start3A_5 = arith.constant 0 : i32
    %dma_start3A_6 = arith.constant 0 : i32
    %dma_start3A_7 = arith.constant 0 : i32
    %dma_start3A_8 = tpu.memref_slice %arg6[%dma_start3A_4, %dma_start3A_6, %dma_start3A_7] : memref<4x200x64xf32, #tpu.memory_space<vmem>> -> memref<1x200x64xf32, #tpu.memory_space<vmem>>
    %dma_start3A_9 = tpu.memref_squeeze %dma_start3A_8 : memref<1x200x64xf32, #tpu.memory_space<vmem>> -> memref<200x64xf32, #tpu.memory_space<vmem>>
    %dma_start3A_10 = arith.constant 0 : i32
    %dma_start3A_11 = tpu.memref_slice %arg5[%dma_start3A, %dma_start3A_10] : memref<128x200xi32, #tpu.memory_space<vmem>> -> memref<1x200xi32, #tpu.memory_space<vmem>>
    %dma_start3A_12 = tpu.memref_squeeze %dma_start3A_11 : memref<1x200xi32, #tpu.memory_space<vmem>> -> memref<200xi32, #tpu.memory_space<vmem>>
    %dma_start3A_13 = arith.constant 0 : i32
    %dma_start3A_14 = arith.constant 0 : i32
    %dma_start3A_15 = tpu.memref_slice %arg3[%dma_start3A_13, %dma_start3A_14] : memref<100000x64xf32, #tpu.memory_space<hbm>> -> memref<100000x64xf32, #tpu.memory_space<hbm>>
    %dma_start3A_16 = tpu.memref_slice %arg8[%dma_start3A_5] : memref<4x!tpu.dma_semaphore, #tpu.memory_space<semaphore_mem>> -> memref<1x!tpu.dma_semaphore, #tpu.memory_space<semaphore_mem>>
    %dma_start3A_17 = tpu.memref_squeeze %dma_start3A_16 : memref<1x!tpu.dma_semaphore, #tpu.memory_space<semaphore_mem>> -> memref<!tpu.dma_semaphore, #tpu.memory_space<semaphore_mem>>
    tpu.enqueue_indirect_dma source(%dma_start3A_15 : memref<100000x64xf32, #tpu.memory_space<hbm>>) target(%dma_start3A_9 : memref<200x64xf32, #tpu.memory_space<vmem>>) offsets(%dma_start3A_12 : memref<200xi32, #tpu.memory_space<vmem>>) semaphore(%dma_start3A_17 : memref<!tpu.dma_semaphore, #tpu.memory_space<semaphore_mem>>)
    %dma_start3A_18 = arith.constant 1 : i32
    %dma_start3A_19 = arith.constant 1 : i32
    %dma_start3A_20 = arith.constant 1 : i32
    %dma_start3A_21 = arith.constant 0 : i32
    %dma_start3A_22 = arith.constant 0 : i32
    %dma_start3A_23 = tpu.memref_slice %arg6[%dma_start3A_19, %dma_start3A_21, %dma_start3A_22] : memref<4x200x64xf32, #tpu.memory_space<vmem>> -> memref<1x200x64xf32, #tpu.memory_space<vmem>>
    %dma_start3A_24 = tpu.memref_squeeze %dma_start3A_23 : memref<1x200x64xf32, #tpu.memory_space<vmem>> -> memref<200x64xf32, #tpu.memory_space<vmem>>
    %dma_start3A_25 = arith.constant 0 : i32
    %dma_start3A_26 = tpu.memref_slice %arg5[%dma_start3A_18, %dma_start3A_25] : memref<128x200xi32, #tpu.memory_space<vmem>> -> memref<1x200xi32, #tpu.memory_space<vmem>>
    %dma_start3A_27 = tpu.memref_squeeze %dma_start3A_26 : memref<1x200xi32, #tpu.memory_space<vmem>> -> memref<200xi32, #tpu.memory_space<vmem>>
    %dma_start3A_28 = arith.constant 0 : i32
    %dma_start3A_29 = arith.constant 0 : i32
    %dma_start3A_30 = tpu.memref_slice %arg3[%dma_start3A_28, %dma_start3A_29] : memref<100000x64xf32, #tpu.memory_space<hbm>> -> memref<100000x64xf32, #tpu.memory_space<hbm>>
    %dma_start3A_31 = tpu.memref_slice %arg8[%dma_start3A_20] : memref<4x!tpu.dma_semaphore, #tpu.memory_space<semaphore_mem>> -> memref<1x!tpu.dma_semaphore, #tpu.memory_space<semaphore_mem>>
    %dma_start3A_32 = tpu.memref_squeeze %dma_start3A_31 : memref<1x!tpu.dma_semaphore, #tpu.memory_space<semaphore_mem>> -> memref<!tpu.dma_semaphore, #tpu.memory_space<semaphore_mem>>
    tpu.enqueue_indirect_dma source(%dma_start3A_30 : memref<100000x64xf32, #tpu.memory_space<hbm>>) target(%dma_start3A_24 : memref<200x64xf32, #tpu.memory_space<vmem>>) offsets(%dma_start3A_27 : memref<200xi32, #tpu.memory_space<vmem>>) semaphore(%dma_start3A_32 : memref<!tpu.dma_semaphore, #tpu.memory_space<semaphore_mem>>)
    %dma_start3A_33 = arith.constant 2 : i32
    %dma_start3A_34 = arith.constant 2 : i32
    %dma_start3A_35 = arith.constant 2 : i32
    %dma_start3A_36 = arith.constant 0 : i32
    %dma_start3A_37 = arith.constant 0 : i32
    %dma_start3A_38 = tpu.memref_slice %arg6[%dma_start3A_34, %dma_start3A_36, %dma_start3A_37] : memref<4x200x64xf32, #tpu.memory_space<vmem>> -> memref<1x200x64xf32, #tpu.memory_space<vmem>>
    %dma_start3A_39 = tpu.memref_squeeze %dma_start3A_38 : memref<1x200x64xf32, #tpu.memory_space<vmem>> -> memref<200x64xf32, #tpu.memory_space<vmem>>
    %dma_start3A_40 = arith.constant 0 : i32
    %dma_start3A_41 = tpu.memref_slice %arg5[%dma_start3A_33, %dma_start3A_40] : memref<128x200xi32, #tpu.memory_space<vmem>> -> memref<1x200xi32, #tpu.memory_space<vmem>>
    %dma_start3A_42 = tpu.memref_squeeze %dma_start3A_41 : memref<1x200xi32, #tpu.memory_space<vmem>> -> memref<200xi32, #tpu.memory_space<vmem>>
    %dma_start3A_43 = arith.constant 0 : i32
    %dma_start3A_44 = arith.constant 0 : i32
    %dma_start3A_45 = tpu.memref_slice %arg3[%dma_start3A_43, %dma_start3A_44] : memref<100000x64xf32, #tpu.memory_space<hbm>> -> memref<100000x64xf32, #tpu.memory_space<hbm>>
    %dma_start3A_46 = tpu.memref_slice %arg8[%dma_start3A_35] : memref<4x!tpu.dma_semaphore, #tpu.memory_space<semaphore_mem>> -> memref<1x!tpu.dma_semaphore, #tpu.memory_space<semaphore_mem>>
    %dma_start3A_47 = tpu.memref_squeeze %dma_start3A_46 : memref<1x!tpu.dma_semaphore, #tpu.memory_space<semaphore_mem>> -> memref<!tpu.dma_semaphore, #tpu.memory_space<semaphore_mem>>
    tpu.enqueue_indirect_dma source(%dma_start3A_45 : memref<100000x64xf32, #tpu.memory_space<hbm>>) target(%dma_start3A_39 : memref<200x64xf32, #tpu.memory_space<vmem>>) offsets(%dma_start3A_42 : memref<200xi32, #tpu.memory_space<vmem>>) semaphore(%dma_start3A_47 : memref<!tpu.dma_semaphore, #tpu.memory_space<semaphore_mem>>)
    %dma_start3A_48 = arith.constant 3 : i32
    %dma_start3A_49 = arith.constant 3 : i32
    %dma_start3A_50 = arith.constant 3 : i32
    %dma_start3A_51 = arith.constant 0 : i32
    %dma_start3A_52 = arith.constant 0 : i32
    %dma_start3A_53 = tpu.memref_slice %arg6[%dma_start3A_49, %dma_start3A_51, %dma_start3A_52] : memref<4x200x64xf32, #tpu.memory_space<vmem>> -> memref<1x200x64xf32, #tpu.memory_space<vmem>>
    %dma_start3A_54 = tpu.memref_squeeze %dma_start3A_53 : memref<1x200x64xf32, #tpu.memory_space<vmem>> -> memref<200x64xf32, #tpu.memory_space<vmem>>
    %dma_start3A_55 = arith.constant 0 : i32
    %dma_start3A_56 = tpu.memref_slice %arg5[%dma_start3A_48, %dma_start3A_55] : memref<128x200xi32, #tpu.memory_space<vmem>> -> memref<1x200xi32, #tpu.memory_space<vmem>>
    %dma_start3A_57 = tpu.memref_squeeze %dma_start3A_56 : memref<1x200xi32, #tpu.memory_space<vmem>> -> memref<200xi32, #tpu.memory_space<vmem>>
    %dma_start3A_58 = arith.constant 0 : i32
    %dma_start3A_59 = arith.constant 0 : i32
    %dma_start3A_60 = tpu.memref_slice %arg3[%dma_start3A_58, %dma_start3A_59] : memref<100000x64xf32, #tpu.memory_space<hbm>> -> memref<100000x64xf32, #tpu.memory_space<hbm>>
    %dma_start3A_61 = tpu.memref_slice %arg8[%dma_start3A_50] : memref<4x!tpu.dma_semaphore, #tpu.memory_space<semaphore_mem>> -> memref<1x!tpu.dma_semaphore, #tpu.memory_space<semaphore_mem>>
    %dma_start3A_62 = tpu.memref_squeeze %dma_start3A_61 : memref<1x!tpu.dma_semaphore, #tpu.memory_space<semaphore_mem>> -> memref<!tpu.dma_semaphore, #tpu.memory_space<semaphore_mem>>
    tpu.enqueue_indirect_dma source(%dma_start3A_60 : memref<100000x64xf32, #tpu.memory_space<hbm>>) target(%dma_start3A_54 : memref<200x64xf32, #tpu.memory_space<vmem>>) offsets(%dma_start3A_57 : memref<200xi32, #tpu.memory_space<vmem>>) semaphore(%dma_start3A_62 : memref<!tpu.dma_semaphore, #tpu.memory_space<semaphore_mem>>)
    %broadcast_in_dim3A_63 = arith.constant 0.000000e+00 : f32
    %broadcast_in_dim3A_64 = vector.broadcast %broadcast_in_dim3A_63 : f32 to vector<16xf32>
    %scan3A = arith.constant 0 : i32
    %scan3A_65 = arith.constant 128 : i32
    %scan3A_66 = arith.addi %scan3A, %scan3A_65 : i32
    %scan3A_67 = arith.constant 1 : i32
    scf.for %scan3A_128 = %scan3A to %scan3A_66 step %scan3A_67  : i32 {
      %rem3A = arith.constant 4 : i32
      %rem3A_129 = arith.remsi %scan3A_128, %rem3A : i32
      %dma_wait3A_130 = arith.constant 0 : i32
      %dma_wait3A_131 = arith.constant 0 : i32
      %dma_wait3A_132 = tpu.memref_slice %arg6[%rem3A_129, %dma_wait3A_130, %dma_wait3A_131] : memref<4x200x64xf32, #tpu.memory_space<vmem>> -> memref<1x200x64xf32, #tpu.memory_space<vmem>>
      %dma_wait3A_133 = tpu.memref_squeeze %dma_wait3A_132 : memref<1x200x64xf32, #tpu.memory_space<vmem>> -> memref<200x64xf32, #tpu.memory_space<vmem>>
      %dma_wait3A_134 = arith.constant 0 : i32
      %dma_wait3A_135 = tpu.memref_slice %arg5[%scan3A_128, %dma_wait3A_134] : memref<128x200xi32, #tpu.memory_space<vmem>> -> memref<1x200xi32, #tpu.memory_space<vmem>>
      %dma_wait3A_136 = tpu.memref_squeeze %dma_wait3A_135 : memref<1x200xi32, #tpu.memory_space<vmem>> -> memref<200xi32, #tpu.memory_space<vmem>>
      %dma_wait3A_137 = arith.constant 0 : i32
      %dma_wait3A_138 = arith.constant 0 : i32
      %dma_wait3A_139 = tpu.memref_slice %arg3[%dma_wait3A_137, %dma_wait3A_138] : memref<100000x64xf32, #tpu.memory_space<hbm>> -> memref<100000x64xf32, #tpu.memory_space<hbm>>
      %dma_wait3A_140 = tpu.memref_slice %arg8[%rem3A_129] : memref<4x!tpu.dma_semaphore, #tpu.memory_space<semaphore_mem>> -> memref<1x!tpu.dma_semaphore, #tpu.memory_space<semaphore_mem>>
      %dma_wait3A_141 = tpu.memref_squeeze %dma_wait3A_140 : memref<1x!tpu.dma_semaphore, #tpu.memory_space<semaphore_mem>> -> memref<!tpu.dma_semaphore, #tpu.memory_space<semaphore_mem>>
      tpu.wait_indirect_dma semaphore(%dma_wait3A_141 : memref<!tpu.dma_semaphore, #tpu.memory_space<semaphore_mem>>) src(%dma_wait3A_139 : memref<100000x64xf32, #tpu.memory_space<hbm>>) dst(%dma_wait3A_133 : memref<200x64xf32, #tpu.memory_space<vmem>>)
      %parallel_loop3A = arith.constant 0 : i32
      %parallel_loop3A_142 = arith.constant 200 : i32
      %parallel_loop3A_143 = arith.constant 2 : i32
      %parallel_loop3A_144:8 = scf.for %parallel_loop3A_187 = %parallel_loop3A to %parallel_loop3A_142 step %parallel_loop3A_143 iter_args(%parallel_loop3A_188 = %broadcast_in_dim3A_64, %parallel_loop3A_189 = %broadcast_in_dim3A_64, %parallel_loop3A_190 = %broadcast_in_dim3A_64, %parallel_loop3A_191 = %broadcast_in_dim3A_64, %parallel_loop3A_192 = %broadcast_in_dim3A_64, %parallel_loop3A_193 = %broadcast_in_dim3A_64, %parallel_loop3A_194 = %broadcast_in_dim3A_64, %parallel_loop3A_195 = %broadcast_in_dim3A_64) -> (vector<16xf32>, vector<16xf32>, vector<16xf32>, vector<16xf32>, vector<16xf32>, vector<16xf32>, vector<16xf32>, vector<16xf32>)  : i32 {
        %parallel_loop3A_196 = arith.index_cast %rem3A_129 : i32 to index
        %parallel_loop3A_197 = arith.index_cast %parallel_loop3A_187 : i32 to index
        %parallel_loop3A_198 = arith.constant 0 : index
        %parallel_loop3A_199 = tpu.vector_load %arg6[%parallel_loop3A_196, %parallel_loop3A_197, %parallel_loop3A_198] {strides = array<i32>} : memref<4x200x64xf32, #tpu.memory_space<vmem>>, vector<1x1x16xf32>,
        %parallel_loop3A_200 = vector.shape_cast %parallel_loop3A_199 : vector<1x1x16xf32> to vector<16xf32>
        %parallel_loop3A_201 = arith.addf %parallel_loop3A_188, %parallel_loop3A_200 : vector<16xf32>
        %parallel_loop3A_202 = arith.index_cast %rem3A_129 : i32 to index
        %parallel_loop3A_203 = arith.index_cast %parallel_loop3A_187 : i32 to index
        %parallel_loop3A_204 = arith.constant 16 : index
        %parallel_loop3A_205 = tpu.vector_load %arg6[%parallel_loop3A_202, %parallel_loop3A_203, %parallel_loop3A_204] {strides = array<i32>} : memref<4x200x64xf32, #tpu.memory_space<vmem>>, vector<1x1x16xf32>,
        %parallel_loop3A_206 = vector.shape_cast %parallel_loop3A_205 : vector<1x1x16xf32> to vector<16xf32>
        %parallel_loop3A_207 = arith.addf %parallel_loop3A_189, %parallel_loop3A_206 : vector<16xf32>
        %parallel_loop3A_208 = arith.index_cast %rem3A_129 : i32 to index
        %parallel_loop3A_209 = arith.index_cast %parallel_loop3A_187 : i32 to index
        %parallel_loop3A_210 = arith.constant 32 : index
        %parallel_loop3A_211 = tpu.vector_load %arg6[%parallel_loop3A_208, %parallel_loop3A_209, %parallel_loop3A_210] {strides = array<i32>} : memref<4x200x64xf32, #tpu.memory_space<vmem>>, vector<1x1x16xf32>,
        %parallel_loop3A_212 = vector.shape_cast %parallel_loop3A_211 : vector<1x1x16xf32> to vector<16xf32>
        %parallel_loop3A_213 = arith.addf %parallel_loop3A_190, %parallel_loop3A_212 : vector<16xf32>
        %parallel_loop3A_214 = arith.index_cast %rem3A_129 : i32 to index
        %parallel_loop3A_215 = arith.index_cast %parallel_loop3A_187 : i32 to index
        %parallel_loop3A_216 = arith.constant 48 : index
        %parallel_loop3A_217 = tpu.vector_load %arg6[%parallel_loop3A_214, %parallel_loop3A_215, %parallel_loop3A_216] {strides = array<i32>} : memref<4x200x64xf32, #tpu.memory_space<vmem>>, vector<1x1x16xf32>,
        %parallel_loop3A_218 = vector.shape_cast %parallel_loop3A_217 : vector<1x1x16xf32> to vector<16xf32>
        %parallel_loop3A_219 = arith.addf %parallel_loop3A_191, %parallel_loop3A_218 : vector<16xf32>
        %parallel_loop3A_220 = arith.constant 1 : i32
        %parallel_loop3A_221 = arith.addi %parallel_loop3A_187, %parallel_loop3A_220 : i32
        %parallel_loop3A_222 = arith.index_cast %rem3A_129 : i32 to index
        %parallel_loop3A_223 = arith.index_cast %parallel_loop3A_221 : i32 to index
        %parallel_loop3A_224 = arith.constant 0 : index
        %parallel_loop3A_225 = tpu.vector_load %arg6[%parallel_loop3A_222, %parallel_loop3A_223, %parallel_loop3A_224] {strides = array<i32>} : memref<4x200x64xf32, #tpu.memory_space<vmem>>, vector<1x1x16xf32>,
        %parallel_loop3A_226 = vector.shape_cast %parallel_loop3A_225 : vector<1x1x16xf32> to vector<16xf32>
        %parallel_loop3A_227 = arith.addf %parallel_loop3A_192, %parallel_loop3A_226 : vector<16xf32>
        %parallel_loop3A_228 = arith.constant 1 : i32
        %parallel_loop3A_229 = arith.addi %parallel_loop3A_187, %parallel_loop3A_228 : i32
        %parallel_loop3A_230 = arith.index_cast %rem3A_129 : i32 to index
        %parallel_loop3A_231 = arith.index_cast %parallel_loop3A_229 : i32 to index
        %parallel_loop3A_232 = arith.constant 16 : index
        %parallel_loop3A_233 = tpu.vector_load %arg6[%parallel_loop3A_230, %parallel_loop3A_231, %parallel_loop3A_232] {strides = array<i32>} : memref<4x200x64xf32, #tpu.memory_space<vmem>>, vector<1x1x16xf32>,
        %parallel_loop3A_234 = vector.shape_cast %parallel_loop3A_233 : vector<1x1x16xf32> to vector<16xf32>
        %parallel_loop3A_235 = arith.addf %parallel_loop3A_193, %parallel_loop3A_234 : vector<16xf32>
        %parallel_loop3A_236 = arith.constant 1 : i32
        %parallel_loop3A_237 = arith.addi %parallel_loop3A_187, %parallel_loop3A_236 : i32
        %parallel_loop3A_238 = arith.index_cast %rem3A_129 : i32 to index
        %parallel_loop3A_239 = arith.index_cast %parallel_loop3A_237 : i32 to index
        %parallel_loop3A_240 = arith.constant 32 : index
        %parallel_loop3A_241 = tpu.vector_load %arg6[%parallel_loop3A_238, %parallel_loop3A_239, %parallel_loop3A_240] {strides = array<i32>} : memref<4x200x64xf32, #tpu.memory_space<vmem>>, vector<1x1x16xf32>,
        %parallel_loop3A_242 = vector.shape_cast %parallel_loop3A_241 : vector<1x1x16xf32> to vector<16xf32>
        %parallel_loop3A_243 = arith.addf %parallel_loop3A_194, %parallel_loop3A_242 : vector<16xf32>
        %parallel_loop3A_244 = arith.constant 1 : i32
        %parallel_loop3A_245 = arith.addi %parallel_loop3A_187, %parallel_loop3A_244 : i32
        %parallel_loop3A_246 = arith.index_cast %rem3A_129 : i32 to index
        %parallel_loop3A_247 = arith.index_cast %parallel_loop3A_245 : i32 to index
        %parallel_loop3A_248 = arith.constant 48 : index
        %parallel_loop3A_249 = tpu.vector_load %arg6[%parallel_loop3A_246, %parallel_loop3A_247, %parallel_loop3A_248] {strides = array<i32>} : memref<4x200x64xf32, #tpu.memory_space<vmem>>, vector<1x1x16xf32>,
        %parallel_loop3A_250 = vector.shape_cast %parallel_loop3A_249 : vector<1x1x16xf32> to vector<16xf32>
        %parallel_loop3A_251 = arith.addf %parallel_loop3A_195, %parallel_loop3A_250 : vector<16xf32>
        scf.yield %parallel_loop3A_201, %parallel_loop3A_207, %parallel_loop3A_213, %parallel_loop3A_219, %parallel_loop3A_227, %parallel_loop3A_235, %parallel_loop3A_243, %parallel_loop3A_251 : vector<16xf32>, vector<16xf32>, vector<16xf32>, vector<16xf32>, vector<16xf32>, vector<16xf32>, vector<16xf32>, vector<16xf32>
      } {sc.loop_unroll_factor = 4 : i64, sc.parallel_access}
      %add3A_145 = arith.constant 4 : i32
      %add3A_146 = arith.addi %scan3A_128, %add3A_145 : i32
      %min3A = arith.constant 127 : i32
      %min3A_147 = arith.minsi %add3A_146, %min3A : i32
      %dma_start3A_148 = arith.constant 0 : i32
      %dma_start3A_149 = arith.constant 0 : i32
      %dma_start3A_150 = tpu.memref_slice %arg6[%rem3A_129, %dma_start3A_148, %dma_start3A_149] : memref<4x200x64xf32, #tpu.memory_space<vmem>> -> memref<1x200x64xf32, #tpu.memory_space<vmem>>
      %dma_start3A_151 = tpu.memref_squeeze %dma_start3A_150 : memref<1x200x64xf32, #tpu.memory_space<vmem>> -> memref<200x64xf32, #tpu.memory_space<vmem>>
      %dma_start3A_152 = arith.constant 0 : i32
      %dma_start3A_153 = tpu.memref_slice %arg5[%min3A_147, %dma_start3A_152] : memref<128x200xi32, #tpu.memory_space<vmem>> -> memref<1x200xi32, #tpu.memory_space<vmem>>
      %dma_start3A_154 = tpu.memref_squeeze %dma_start3A_153 : memref<1x200xi32, #tpu.memory_space<vmem>> -> memref<200xi32, #tpu.memory_space<vmem>>
      %dma_start3A_155 = arith.constant 0 : i32
      %dma_start3A_156 = arith.constant 0 : i32
      %dma_start3A_157 = tpu.memref_slice %arg3[%dma_start3A_155, %dma_start3A_156] : memref<100000x64xf32, #tpu.memory_space<hbm>> -> memref<100000x64xf32, #tpu.memory_space<hbm>>
      %dma_start3A_158 = tpu.memref_slice %arg8[%rem3A_129] : memref<4x!tpu.dma_semaphore, #tpu.memory_space<semaphore_mem>> -> memref<1x!tpu.dma_semaphore, #tpu.memory_space<semaphore_mem>>
      %dma_start3A_159 = tpu.memref_squeeze %dma_start3A_158 : memref<1x!tpu.dma_semaphore, #tpu.memory_space<semaphore_mem>> -> memref<!tpu.dma_semaphore, #tpu.memory_space<semaphore_mem>>
      tpu.enqueue_indirect_dma source(%dma_start3A_157 : memref<100000x64xf32, #tpu.memory_space<hbm>>) target(%dma_start3A_151 : memref<200x64xf32, #tpu.memory_space<vmem>>) offsets(%dma_start3A_154 : memref<200xi32, #tpu.memory_space<vmem>>) semaphore(%dma_start3A_159 : memref<!tpu.dma_semaphore, #tpu.memory_space<semaphore_mem>>)
      %add3A_160 = arith.addf %parallel_loop3A_144#0, %parallel_loop3A_144#4 : vector<16xf32>
      %mul3A_161 = arith.mulf %add3A_160, %broadcast_in_dim3A_3 : vector<16xf32>
      %swap3A = arith.index_cast %scan3A_128 : i32 to index
      %swap3A_162 = arith.constant 0 : index
      %swap3A_163 = tpu.vector_load %arg7[%swap3A, %swap3A_162] {strides = array<i32>} : memref<128x64xf32, #tpu.memory_space<vmem>>, vector<1x16xf32>,
      %swap3A_164 = vector.shape_cast %swap3A_163 : vector<1x16xf32> to vector<16xf32>
      %swap3A_165 = vector.shape_cast %mul3A_161 : vector<16xf32> to vector<1x16xf32>
      tpu.vector_store %arg7[%swap3A, %swap3A_162], %swap3A_165 {strides = array<i32>} : memref<128x64xf32, #tpu.memory_space<vmem>>, vector<1x16xf32>,
      %add3A_166 = arith.addf %parallel_loop3A_144#1, %parallel_loop3A_144#5 : vector<16xf32>
      %mul3A_167 = arith.mulf %add3A_166, %broadcast_in_dim3A_3 : vector<16xf32>
      %swap3A_168 = arith.index_cast %scan3A_128 : i32 to index
      %swap3A_169 = arith.constant 16 : index
      %swap3A_170 = tpu.vector_load %arg7[%swap3A_168, %swap3A_169] {strides = array<i32>} : memref<128x64xf32, #tpu.memory_space<vmem>>, vector<1x16xf32>,
      %swap3A_171 = vector.shape_cast %swap3A_170 : vector<1x16xf32> to vector<16xf32>
      %swap3A_172 = vector.shape_cast %mul3A_167 : vector<16xf32> to vector<1x16xf32>
      tpu.vector_store %arg7[%swap3A_168, %swap3A_169], %swap3A_172 {strides = array<i32>} : memref<128x64xf32, #tpu.memory_space<vmem>>, vector<1x16xf32>,
      %add3A_173 = arith.addf %parallel_loop3A_144#2, %parallel_loop3A_144#6 : vector<16xf32>
      %mul3A_174 = arith.mulf %add3A_173, %broadcast_in_dim3A_3 : vector<16xf32>
      %swap3A_175 = arith.index_cast %scan3A_128 : i32 to index
      %swap3A_176 = arith.constant 32 : index
      %swap3A_177 = tpu.vector_load %arg7[%swap3A_175, %swap3A_176] {strides = array<i32>} : memref<128x64xf32, #tpu.memory_space<vmem>>, vector<1x16xf32>,
      %swap3A_178 = vector.shape_cast %swap3A_177 : vector<1x16xf32> to vector<16xf32>
      %swap3A_179 = vector.shape_cast %mul3A_174 : vector<16xf32> to vector<1x16xf32>
      tpu.vector_store %arg7[%swap3A_175, %swap3A_176], %swap3A_179 {strides = array<i32>} : memref<128x64xf32, #tpu.memory_space<vmem>>, vector<1x16xf32>,
      %add3A_180 = arith.addf %parallel_loop3A_144#3, %parallel_loop3A_144#7 : vector<16xf32>
      %mul3A_181 = arith.mulf %add3A_180, %broadcast_in_dim3A_3 : vector<16xf32>
      %swap3A_182 = arith.index_cast %scan3A_128 : i32 to index
      %swap3A_183 = arith.constant 48 : index
      %swap3A_184 = tpu.vector_load %arg7[%swap3A_182, %swap3A_183] {strides = array<i32>} : memref<128x64xf32, #tpu.memory_space<vmem>>, vector<1x16xf32>,
      %swap3A_185 = vector.shape_cast %swap3A_184 : vector<1x16xf32> to vector<16xf32>
      %swap3A_186 = vector.shape_cast %mul3A_181 : vector<16xf32> to vector<1x16xf32>
      tpu.vector_store %arg7[%swap3A_182, %swap3A_183], %swap3A_186 {strides = array<i32>} : memref<128x64xf32, #tpu.memory_space<vmem>>, vector<1x16xf32>,
    }
    %scan3A_68 = arith.constant 128 : i32
    %dma_wait3A = arith.constant 127 : i32
    %dma_wait3A_69 = arith.constant 0 : i32
    %dma_wait3A_70 = arith.constant 0 : i32
    %dma_wait3A_71 = arith.constant 0 : i32
    %dma_wait3A_72 = arith.constant 0 : i32
    %dma_wait3A_73 = tpu.memref_slice %arg6[%dma_wait3A_69, %dma_wait3A_71, %dma_wait3A_72] : memref<4x200x64xf32, #tpu.memory_space<vmem>> -> memref<1x200x64xf32, #tpu.memory_space<vmem>>
    %dma_wait3A_74 = tpu.memref_squeeze %dma_wait3A_73 : memref<1x200x64xf32, #tpu.memory_space<vmem>> -> memref<200x64xf32, #tpu.memory_space<vmem>>
    %dma_wait3A_75 = arith.constant 0 : i32
    %dma_wait3A_76 = tpu.memref_slice %arg5[%dma_wait3A, %dma_wait3A_75] : memref<128x200xi32, #tpu.memory_space<vmem>> -> memref<1x200xi32, #tpu.memory_space<vmem>>
    %dma_wait3A_77 = tpu.memref_squeeze %dma_wait3A_76 : memref<1x200xi32, #tpu.memory_space<vmem>> -> memref<200xi32, #tpu.memory_space<vmem>>
    %dma_wait3A_78 = arith.constant 0 : i32
    %dma_wait3A_79 = arith.constant 0 : i32
    %dma_wait3A_80 = tpu.memref_slice %arg3[%dma_wait3A_78, %dma_wait3A_79] : memref<100000x64xf32, #tpu.memory_space<hbm>> -> memref<100000x64xf32, #tpu.memory_space<hbm>>
    %dma_wait3A_81 = tpu.memref_slice %arg8[%dma_wait3A_70] : memref<4x!tpu.dma_semaphore, #tpu.memory_space<semaphore_mem>> -> memref<1x!tpu.dma_semaphore, #tpu.memory_space<semaphore_mem>>
    %dma_wait3A_82 = tpu.memref_squeeze %dma_wait3A_81 : memref<1x!tpu.dma_semaphore, #tpu.memory_space<semaphore_mem>> -> memref<!tpu.dma_semaphore, #tpu.memory_space<semaphore_mem>>
    tpu.wait_indirect_dma semaphore(%dma_wait3A_82 : memref<!tpu.dma_semaphore, #tpu.memory_space<semaphore_mem>>) src(%dma_wait3A_80 : memref<100000x64xf32, #tpu.memory_space<hbm>>) dst(%dma_wait3A_74 : memref<200x64xf32, #tpu.memory_space<vmem>>)
    %dma_wait3A_83 = arith.constant 127 : i32
    %dma_wait3A_84 = arith.constant 1 : i32
    %dma_wait3A_85 = arith.constant 1 : i32
    %dma_wait3A_86 = arith.constant 0 : i32
    %dma_wait3A_87 = arith.constant 0 : i32
    %dma_wait3A_88 = tpu.memref_slice %arg6[%dma_wait3A_84, %dma_wait3A_86, %dma_wait3A_87] : memref<4x200x64xf32, #tpu.memory_space<vmem>> -> memref<1x200x64xf32, #tpu.memory_space<vmem>>
    %dma_wait3A_89 = tpu.memref_squeeze %dma_wait3A_88 : memref<1x200x64xf32, #tpu.memory_space<vmem>> -> memref<200x64xf32, #tpu.memory_space<vmem>>
    %dma_wait3A_90 = arith.constant 0 : i32
    %dma_wait3A_91 = tpu.memref_slice %arg5[%dma_wait3A_83, %dma_wait3A_90] : memref<128x200xi32, #tpu.memory_space<vmem>> -> memref<1x200xi32, #tpu.memory_space<vmem>>
    %dma_wait3A_92 = tpu.memref_squeeze %dma_wait3A_91 : memref<1x200xi32, #tpu.memory_space<vmem>> -> memref<200xi32, #tpu.memory_space<vmem>>
    %dma_wait3A_93 = arith.constant 0 : i32
    %dma_wait3A_94 = arith.constant 0 : i32
    %dma_wait3A_95 = tpu.memref_slice %arg3[%dma_wait3A_93, %dma_wait3A_94] : memref<100000x64xf32, #tpu.memory_space<hbm>> -> memref<100000x64xf32, #tpu.memory_space<hbm>>
    %dma_wait3A_96 = tpu.memref_slice %arg8[%dma_wait3A_85] : memref<4x!tpu.dma_semaphore, #tpu.memory_space<semaphore_mem>> -> memref<1x!tpu.dma_semaphore, #tpu.memory_space<semaphore_mem>>
    %dma_wait3A_97 = tpu.memref_squeeze %dma_wait3A_96 : memref<1x!tpu.dma_semaphore, #tpu.memory_space<semaphore_mem>> -> memref<!tpu.dma_semaphore, #tpu.memory_space<semaphore_mem>>
    tpu.wait_indirect_dma semaphore(%dma_wait3A_97 : memref<!tpu.dma_semaphore, #tpu.memory_space<semaphore_mem>>) src(%dma_wait3A_95 : memref<100000x64xf32, #tpu.memory_space<hbm>>) dst(%dma_wait3A_89 : memref<200x64xf32, #tpu.memory_space<vmem>>)
    %dma_wait3A_98 = arith.constant 127 : i32
    %dma_wait3A_99 = arith.constant 2 : i32
    %dma_wait3A_100 = arith.constant 2 : i32
    %dma_wait3A_101 = arith.constant 0 : i32
    %dma_wait3A_102 = arith.constant 0 : i32
    %dma_wait3A_103 = tpu.memref_slice %arg6[%dma_wait3A_99, %dma_wait3A_101, %dma_wait3A_102] : memref<4x200x64xf32, #tpu.memory_space<vmem>> -> memref<1x200x64xf32, #tpu.memory_space<vmem>>
    %dma_wait3A_104 = tpu.memref_squeeze %dma_wait3A_103 : memref<1x200x64xf32, #tpu.memory_space<vmem>> -> memref<200x64xf32, #tpu.memory_space<vmem>>
    %dma_wait3A_105 = arith.constant 0 : i32
    %dma_wait3A_106 = tpu.memref_slice %arg5[%dma_wait3A_98, %dma_wait3A_105] : memref<128x200xi32, #tpu.memory_space<vmem>> -> memref<1x200xi32, #tpu.memory_space<vmem>>
    %dma_wait3A_107 = tpu.memref_squeeze %dma_wait3A_106 : memref<1x200xi32, #tpu.memory_space<vmem>> -> memref<200xi32, #tpu.memory_space<vmem>>
    %dma_wait3A_108 = arith.constant 0 : i32
    %dma_wait3A_109 = arith.constant 0 : i32
    %dma_wait3A_110 = tpu.memref_slice %arg3[%dma_wait3A_108, %dma_wait3A_109] : memref<100000x64xf32, #tpu.memory_space<hbm>> -> memref<100000x64xf32, #tpu.memory_space<hbm>>
    %dma_wait3A_111 = tpu.memref_slice %arg8[%dma_wait3A_100] : memref<4x!tpu.dma_semaphore, #tpu.memory_space<semaphore_mem>> -> memref<1x!tpu.dma_semaphore, #tpu.memory_space<semaphore_mem>>
    %dma_wait3A_112 = tpu.memref_squeeze %dma_wait3A_111 : memref<1x!tpu.dma_semaphore, #tpu.memory_space<semaphore_mem>> -> memref<!tpu.dma_semaphore, #tpu.memory_space<semaphore_mem>>
    tpu.wait_indirect_dma semaphore(%dma_wait3A_112 : memref<!tpu.dma_semaphore, #tpu.memory_space<semaphore_mem>>) src(%dma_wait3A_110 : memref<100000x64xf32, #tpu.memory_space<hbm>>) dst(%dma_wait3A_104 : memref<200x64xf32, #tpu.memory_space<vmem>>)
    %dma_wait3A_113 = arith.constant 127 : i32
    %dma_wait3A_114 = arith.constant 3 : i32
    %dma_wait3A_115 = arith.constant 3 : i32
    %dma_wait3A_116 = arith.constant 0 : i32
    %dma_wait3A_117 = arith.constant 0 : i32
    %dma_wait3A_118 = tpu.memref_slice %arg6[%dma_wait3A_114, %dma_wait3A_116, %dma_wait3A_117] : memref<4x200x64xf32, #tpu.memory_space<vmem>> -> memref<1x200x64xf32, #tpu.memory_space<vmem>>
    %dma_wait3A_119 = tpu.memref_squeeze %dma_wait3A_118 : memref<1x200x64xf32, #tpu.memory_space<vmem>> -> memref<200x64xf32, #tpu.memory_space<vmem>>
    %dma_wait3A_120 = arith.constant 0 : i32
    %dma_wait3A_121 = tpu.memref_slice %arg5[%dma_wait3A_113, %dma_wait3A_120] : memref<128x200xi32, #tpu.memory_space<vmem>> -> memref<1x200xi32, #tpu.memory_space<vmem>>
    %dma_wait3A_122 = tpu.memref_squeeze %dma_wait3A_121 : memref<1x200xi32, #tpu.memory_space<vmem>> -> memref<200xi32, #tpu.memory_space<vmem>>
    %dma_wait3A_123 = arith.constant 0 : i32
    %dma_wait3A_124 = arith.constant 0 : i32
    %dma_wait3A_125 = tpu.memref_slice %arg3[%dma_wait3A_123, %dma_wait3A_124] : memref<100000x64xf32, #tpu.memory_space<hbm>> -> memref<100000x64xf32, #tpu.memory_space<hbm>>
    %dma_wait3A_126 = tpu.memref_slice %arg8[%dma_wait3A_115] : memref<4x!tpu.dma_semaphore, #tpu.memory_space<semaphore_mem>> -> memref<1x!tpu.dma_semaphore, #tpu.memory_space<semaphore_mem>>
    %dma_wait3A_127 = tpu.memref_squeeze %dma_wait3A_126 : memref<1x!tpu.dma_semaphore, #tpu.memory_space<semaphore_mem>> -> memref<!tpu.dma_semaphore, #tpu.memory_space<semaphore_mem>>
    tpu.wait_indirect_dma semaphore(%dma_wait3A_127 : memref<!tpu.dma_semaphore, #tpu.memory_space<semaphore_mem>>) src(%dma_wait3A_125 : memref<100000x64xf32, #tpu.memory_space<hbm>>) dst(%dma_wait3A_119 : memref<200x64xf32, #tpu.memory_space<vmem>>)
    "tpu.region"() ({
      %run_scoped3A = tpu.sem_alloc : memref<!tpu.dma_semaphore, #tpu.memory_space<semaphore_mem>>
      %dma_start3A_128 = arith.constant 0 : i32
      %dma_start3A_129 = tpu.memref_slice %arg4[%mul3A_2, %dma_start3A_128] : memref<4096x64xf32, #tpu.memory_space<hbm>> -> memref<128x64xf32, #tpu.memory_space<hbm>>
      %dma_start3A_130 = arith.constant 0 : i32
      %dma_start3A_131 = tpu.memref_slice %arg4[%mul3A_2, %dma_start3A_130] : memref<4096x64xf32, #tpu.memory_space<hbm>> -> memref<128x64xf32, #tpu.memory_space<hbm>>
      tpu.enqueue_dma source(%arg7 : memref<128x64xf32, #tpu.memory_space<vmem>>) target(%dma_start3A_131 : memref<128x64xf32, #tpu.memory_space<hbm>>) target_semaphore(%run_scoped3A : memref<!tpu.dma_semaphore, #tpu.memory_space<semaphore_mem>>)
      %dma_wait3A_132 = arith.constant 0 : i32
      %dma_wait3A_133 = tpu.memref_slice %arg4[%mul3A_2, %dma_wait3A_132] : memref<4096x64xf32, #tpu.memory_space<hbm>> -> memref<128x64xf32, #tpu.memory_space<hbm>>
      %dma_wait3A_134 = arith.constant 0 : i32
      %dma_wait3A_135 = tpu.memref_slice %arg4[%mul3A_2, %dma_wait3A_134] : memref<4096x64xf32, #tpu.memory_space<hbm>> -> memref<128x64xf32, #tpu.memory_space<hbm>>
      tpu.wait_dma2 semaphore(%run_scoped3A : memref<!tpu.dma_semaphore, #tpu.memory_space<semaphore_mem>>) src(%arg7 : memref<128x64xf32, #tpu.memory_space<vmem>>) dst(%dma_wait3A_135 : memref<128x64xf32, #tpu.memory_space<hbm>>)
      tpu.yield
    }) : () -> ()
    return
  }
}

module attributes {stable_mosaic.version = 14 : i64} {
  func.func @_mlp_tc(%arg0: i32, %arg1: memref<512x64xf32, #tpu.memory_space<vmem>>, %arg2: memref<64x256xf32, #tpu.memory_space<vmem>>, %arg3: memref<1x256xf32, #tpu.memory_space<vmem>>, %arg4: memref<1x256xf32, #tpu.memory_space<vmem>>, %arg5: memref<1x1xf32, #tpu.memory_space<vmem>>, %arg6: memref<512x1xf32, #tpu.memory_space<vmem>>) attributes {dimension_semantics = [#tpu.dimension_semantics<arbitrary>], iteration_bounds = array<i64: 8>, scalar_prefetch = 0 : i64, scratch_operands = 0 : i64, tpu.core_type = #tpu.core_type<tc>, window_params = [{transform_indices = @transform_0, window_bounds = array<i64: 512, 64>}, {pipeline_mode = #tpu.pipeline_mode<synchronous>, transform_indices = @transform_1, window_bounds = array<i64: 64, 256>}, {pipeline_mode = #tpu.pipeline_mode<synchronous>, transform_indices = @transform_2, window_bounds = array<i64: 1, 256>}, {pipeline_mode = #tpu.pipeline_mode<synchronous>, transform_indices = @transform_3, window_bounds = array<i64: 1, 256>}, {pipeline_mode = #tpu.pipeline_mode<synchronous>, transform_indices = @transform_4, window_bounds = array<i64: 1, 1>}, {transform_indices = @transform_5, window_bounds = array<i64: 512, 1>}]} {
    %get3A = arith.constant 0 : index
    %get3A_0 = arith.constant 0 : index
    %get3A_1 = vector.load %arg1[%get3A, %get3A_0] : memref<512x64xf32, #tpu.memory_space<vmem>>, vector<512x64xf32>
    %get3A_2 = arith.constant 0 : index
    %get3A_3 = arith.constant 0 : index
    %get3A_4 = vector.load %arg2[%get3A_2, %get3A_3] : memref<64x256xf32, #tpu.memory_space<vmem>>, vector<64x256xf32>
    %dot_general3A = arith.constant dense<0.000000e+00> : vector<512x256xf32>
    %dot_general3A_5 = tpu.matmul %get3A_1, %get3A_4, %dot_general3A {dimension_numbers = #tpu.dot_dimension_numbers<[1], [0], [0], [1], [0, 0, 1, 1], [], []>, transpose_lhs_hint = false} : vector<512x64xf32>, vector<64x256xf32>, vector<512x256xf32> -> vector<512x256xf32>
    %get3A_6 = arith.constant 0 : index
    %get3A_7 = arith.constant 0 : index
    %get3A_8 = vector.load %arg3[%get3A_6, %get3A_7] : memref<1x256xf32, #tpu.memory_space<vmem>>, vector<1x256xf32>
    %add3A = vector.broadcast %get3A_8 : vector<1x256xf32> to vector<512x256xf32>
    %add3A_9 = arith.addf %dot_general3A_5, %add3A : vector<512x256xf32>
    %max3A = arith.constant 0.000000e+00 : f32
    %max3A_10 = vector.broadcast %max3A : f32 to vector<512x256xf32>
    %max3A_11 = arith.maximumf %add3A_9, %max3A_10 : vector<512x256xf32>
    %get3A_12 = arith.constant 0 : index
    %get3A_13 = arith.constant 0 : index
    %get3A_14 = vector.load %arg4[%get3A_12, %get3A_13] : memref<1x256xf32, #tpu.memory_space<vmem>>, vector<1x256xf32>
    %mul3A = vector.broadcast %get3A_14 : vector<1x256xf32> to vector<512x256xf32>
    %mul3A_15 = arith.mulf %max3A_11, %mul3A : vector<512x256xf32>
    %reduce_sum3A = arith.constant dense<0.000000e+00> : vector<512xf32>
    %reduce_sum3A_16 = vector.multi_reduction <add>, %mul3A_15, %reduce_sum3A [1] : vector<512x256xf32> to vector<512xf32>
    %broadcast_in_dim3A = vector.shape_cast %reduce_sum3A_16 : vector<512xf32> to vector<512x1xf32>
    %get3A_17 = arith.constant 0 : index
    %get3A_18 = arith.constant 0 : index
    %get3A_19 = vector.load %arg5[%get3A_17, %get3A_18] : memref<1x1xf32, #tpu.memory_space<vmem>>, vector<1x1xf32>
    %add3A_20 = vector.broadcast %get3A_19 : vector<1x1xf32> to vector<512x1xf32>
    %add3A_21 = arith.addf %broadcast_in_dim3A, %add3A_20 : vector<512x1xf32>
    %logistic3A = arith.negf %add3A_21 : vector<512x1xf32>
    %logistic3A_22 = math.exp %logistic3A : vector<512x1xf32>
    %logistic3A_23 = arith.constant 1.000000e+00 : f32
    %logistic3A_24 = vector.broadcast %logistic3A_23 : f32 to vector<512x1xf32>
    %logistic3A_25 = arith.addf %logistic3A_24, %logistic3A_22 : vector<512x1xf32>
    %logistic3A_26 = arith.divf %logistic3A_24, %logistic3A_25 : vector<512x1xf32>
    %swap3A = arith.constant 0 : index
    %swap3A_27 = arith.constant 0 : index
    %swap3A_28 = vector.load %arg6[%swap3A, %swap3A_27] : memref<512x1xf32, #tpu.memory_space<vmem>>, vector<512x1xf32>
    tpu.vector_store %arg6[%swap3A, %swap3A_27], %logistic3A_26 {strides = array<i32>} : memref<512x1xf32, #tpu.memory_space<vmem>>, vector<512x1xf32>,
    return
  }
  func.func @transform_0(%arg0: i32) -> (i32, i32) {
    %c0_i32 = arith.constant 0 : i32
    %c0_i32_0 = arith.constant 0 : i32
    return %arg0, %c0_i32 : i32, i32
  }
  func.func @transform_1(%arg0: i32) -> (i32, i32) {
    %c0_i32 = arith.constant 0 : i32
    %c0_i32_0 = arith.constant 0 : i32
    %c0_i32_1 = arith.constant 0 : i32
    return %c0_i32, %c0_i32_0 : i32, i32
  }
  func.func @transform_2(%arg0: i32) -> (i32, i32) {
    %c0_i32 = arith.constant 0 : i32
    %c0_i32_0 = arith.constant 0 : i32
    %c0_i32_1 = arith.constant 0 : i32
    return %c0_i32, %c0_i32_0 : i32, i32
  }
  func.func @transform_3(%arg0: i32) -> (i32, i32) {
    %c0_i32 = arith.constant 0 : i32
    %c0_i32_0 = arith.constant 0 : i32
    %c0_i32_1 = arith.constant 0 : i32
    return %c0_i32, %c0_i32_0 : i32, i32
  }
  func.func @transform_4(%arg0: i32) -> (i32, i32) {
    %c0_i32 = arith.constant 0 : i32
    %c0_i32_0 = arith.constant 0 : i32
    %c0_i32_1 = arith.constant 0 : i32
    return %c0_i32, %c0_i32_0 : i32, i32
  }
  func.func @transform_5(%arg0: i32) -> (i32, i32) {
    %c0_i32 = arith.constant 0 : i32
    %c0_i32_0 = arith.constant 0 : i32
    return %arg0, %c0_i32 : i32, i32
  }
}

</mosaic_0001>

<sc_bundles>
// kernel: kernel.4.cloned.1.call-start
scs
__scs_entry_jumppad:
0x0: {  	(pc) =	sbr.rel $0x88, $3  }
0x1: {  	(tag) =	ssettag $0x0;
	lr =	simm.s32 $0x1  }
0x2: {  	[smem:$0x3F9B] =	sst lr;
	_ =	strace $0xD0000000  }
0x3: {  	_ = 	snop  }
0x4: {  	_ = 	snop  }
0x5: {  	_ = 	snop  }
0x6: {  	_ = 	snop  }
0x7: {  	_ = 	snop  }
__scs_overlays_trampoline_lowered:
0x8: {  	[smem:$0x3FAA] =	sst s0  }
0x9: {  	[smem:$0x3FAB] =	sst s1  }
0xa: {  	[smem:$0x3FAC] =	sst s2  }
0xb: {  	[smem:$0x3FAD] =	sst s3  }
0xc: {  	[smem:$0x3FAE] =	sst s4  }
0xd: {  	[smem:$0x3FAF] =	sst s5  }
0xe: {  	[smem:$0x3FB0] =	sst s6  }
0xf: {  	[smem:$0x3FB1] =	sst s7  }
0x10: {  	[smem:$0x3FB2] =	sst s8  }
0x11: {  	[smem:$0x3FB3] =	sst s9;
	s0 =	simm.s32 @!p0 $0x0  }
0x12: {  	s1 =	sld [smem:$0x3F99];
	s0 =	simm.s32 @p0 $0x1  }
0x13: {  	[smem:$0x3FB4] =	sst s0;
	s0 =	simm.s32 @!p1 $0x0  }
0x14: {  	s2 =	sld [smem:$0x3F98];
	s0 =	simm.s32 @p1 $0x1  }
0x15: {  	[smem:$0x3FB5] =	sst s0;
	s0 =	simm.s32 @!p2 $0x0  }
0x16: {  	s3 =	sld [smem:$0x3FDB];
	s0 =	simm.s32 @p2 $0x1  }
0x17: {  	s4 =	simm.s32 $0x1BF5;
	[smem:$0x3FB7] =	sst s0  }
0x18: {  	s0 =	sld [smem:$0x3F9A];
	_ =	swait.ge [sflag:s4], $0x0  }
0x19: {  	s7 =	sld [smem:$0x3F9B]  }
0x1a: {  	s8 =	sadd.s32 $0xFFFFE003, lr  }
0x1b: {  	s9 =	sadd.s32 $0xFFFFFEF7, lr;
	s5 =	simm.s32 $0xFFFFFFFF;
	p2 =	slt.u32 s8, $0xFFFFF086  }
0x1c: {  	p1 =	slt.u32 s9, $0xF7A;
	s5 =	simm.s32 @!p2 $0x0  }
0x1d: {  	s5 =	simm.s32 @p1 $0x1;
	p0 =	seq.s32 s7, s2  }
0x1e: {  	s7 =	smul.u32 @!p0 $0xF7A, s2;
	p2 =	seq.s32 @!p0 s5, $0x0  }
0x1f: {  	s9 =	smul.u32 $0xF7A, s1;
	s8 =	simm.s32 @!p0 $0x1BF5;
	p2 =	por !p2, p0  }
0x20: {  	[sflag:s8] =	ssyncset.s32 @!p0 $0xFFFFF086;
	s6 =	sadd.s32 @!p0 s3, s7;
	s7 =	simm.s32 @!p0 $0x108  }
0x21: {  	s3 =	sadd.s32 s3, s9;
	s6 =	sadd.s32 @!p0 $0x88, s6;
	s7 =	simm.s32 @p2 $0x1082  }
0x22: {  	[simem:s7], [sflag:s8] =	dma.local @!p0 [hbm:s6], $0xF7A  }
0x23: {  	s9 =	sor.u32 $0xD0000000, s2;
	s6 =	simm.s32 $0x108;
	_ =	swait.ge @!p0 [sflag:s8], $0x0  }
0x24: {  	s3 =	sadd.s32 $0x88, s3;
	s6 =	simm.s32 @!p1 $0x1082;
	[sflag:s4] =	ssyncset.s32 $0xFFFFF086  }
0x25: {  	[simem:s6], [sflag:s4] =	dma.local [hbm:s3], $0xF7A  }
0x26: {  	[smem:$0x3F9B] =	sst s1;
	(tag) =	ssettag s2;
	_ =	strace s9  }
0x27: {  	s1 =	sld [smem:$0x3FAB]  }
0x28: {  	s2 =	sld [smem:$0x3FAC]  }
0x29: {  	s4 =	sld [smem:$0x3FAE]  }
0x2a: {  	p0 =	seq.s32 s5, $0x0;
	s5 =	sld [smem:$0x3FAF]  }
0x2b: {  	s6 =	sld [smem:$0x3FB0]  }
0x2c: {  	s7 =	sld [smem:$0x3FB1]  }
0x2d: {  	s3 =	simm.s32 $0x108;
	s8 =	sld [smem:$0x3FB2]  }
0x2e: {  	s3 =	simm.s32 @!p0 $0x1082;
	s9 =	sld [smem:$0x3FB3]  }
0x2f: {  	lr =	sadd.s32 s0, s3;
	s0 =	sld [smem:$0x3FAA]  }
0x30: {  	s3 =	sld [smem:$0x3FAD]  }
0x31: {  	[smem:$0x3FB6] =	sst s10  }
0x32: {  	s10 =	sld [smem:$0x3FB4];
	_ =	sdelay $0x3  }
0x33: {  	p0 =	seq.s32 s10, $0x1;
	s10 =	sld [smem:$0x3FB6];
	_ =	sdelay $0x3  }
0x34: {  	[smem:$0x3FB6] =	sst s10  }
0x35: {  	s10 =	sld [smem:$0x3FB5];
	_ =	sdelay $0x3  }
0x36: {  	p1 =	seq.s32 s10, $0x1;
	s10 =	sld [smem:$0x3FB6];
	_ =	sdelay $0x3  }
0x37: {  	[smem:$0x3FB6] =	sst s10  }
0x38: {  	s10 =	sld [smem:$0x3FB7]  }
0x39: {  	_ = 	snop;
	(pc) =	sbr.ind lr, $3  }
0x3a: {  	_ = 	snop  }
0x3b: {  	_ = 	snop  }
0x3c: {  	p2 =	seq.s32 s10, $0x1;
	s10 =	sld [smem:$0x3FB6]  }
0x3d: {  	_ =	shalt  }
0x3e: {  	_ =	shalt  }
0x3f: {  	_ =	shalt  }
0x40: {  	_ =	shalt  }
0x41: {  	_ =	shalt  }
0x42: {  	_ =	shalt  }
0x43: {  	_ =	shalt  }
0x44: {  	_ =	shalt  }
0x45: {  	_ =	shalt  }
0x46: {  	_ =	shalt  }
0x47: {  	_ =	shalt  }
0x48: {  	_ =	shalt  }
0x49: {  	_ =	shalt  }
0x4a: {  	_ =	shalt  }
0x4b: {  	_ =	shalt  }
0x4c: {  	_ =	shalt  }
0x4d: {  	_ =	shalt  }
0x4e: {  	_ =	shalt  }
0x4f: {  	_ =	shalt  }
0x50: {  	_ =	shalt  }
0x51: {  	_ =	shalt  }
0x52: {  	_ =	shalt  }
0x53: {  	_ =	shalt  }
0x54: {  	_ =	shalt  }
0x55: {  	_ =	shalt  }
0x56: {  	_ =	shalt  }
0x57: {  	_ =	shalt  }
0x58: {  	_ =	shalt  }
0x59: {  	_ =	shalt  }
0x5a: {  	_ =	shalt  }
0x5b: {  	_ =	shalt  }
0x5c: {  	_ =	shalt  }
0x5d: {  	_ =	shalt  }
0x5e: {  	_ =	shalt  }
0x5f: {  	_ =	shalt  }
0x60: {  	_ =	shalt  }
0x61: {  	_ =	shalt  }
0x62: {  	_ =	shalt  }
0x63: {  	_ =	shalt  }
0x64: {  	_ =	shalt  }
0x65: {  	_ =	shalt  }
0x66: {  	_ =	shalt  }
0x67: {  	_ =	shalt  }
0x68: {  	_ =	shalt  }
0x69: {  	_ =	shalt  }
0x6a: {  	_ =	shalt  }
0x6b: {  	_ =	shalt  }
0x6c: {  	_ =	shalt  }
0x6d: {  	_ =	shalt  }
0x6e: {  	_ =	shalt  }
0x6f: {  	_ =	shalt  }
0x70: {  	_ =	shalt  }
0x71: {  	_ =	shalt  }
0x72: {  	_ =	shalt  }
0x73: {  	_ =	shalt  }
0x74: {  	_ =	shalt  }
0x75: {  	_ =	shalt  }
0x76: {  	_ =	shalt  }
0x77: {  	_ =	shalt  }
0x78: {  	_ =	shalt  }
0x79: {  	_ =	shalt  }
0x7a: {  	_ =	shalt  }
0x7b: {  	_ =	shalt  }
0x7c: {  	_ =	shalt  }
0x7d: {  	_ =	shalt  }
0x7e: {  	_ =	shalt  }
0x7f: {  	_ =	shalt  }
0x80: {  	_ =	shalt  }
0x81: {  	_ =	shalt  }
0x82: {  	_ =	shalt  }
0x83: {  	_ =	shalt  }
0x84: {  	_ =	shalt  }
0x85: {  	_ =	shalt  }
0x86: {  	_ =	shalt  }
0x87: {  	_ =	shalt  }
.Lfunc_end0:
.L_simem_size_0:
called_computation_lowered:
.L_overlay_start_0:
0x88: {  	s2 =	sld [smem:$0x3FD9]  }
0x89: {  	s3 =	sld [smem:$0x3FFE];
	_ =	sdelay $0x1  }
0x8a: {  	s1 =	srdreg.scid  }
0x8b: {  	s0 =	sand.u32 $0x1, s1  }
0x8c: {  	s16 =	sshll.u32 s0, $0xA;
	s2 =	sadd.s32 s3, s2  }
0x8d: {  	s2 =	sadd.s32 s2, s16  }
0x8e: {  	[smem:$0x3FC2] =	sst s2  }
0x8f: {  	_ = 	snop  }
0x90: {  	(tm) =	ssettm $0x1  }
0x91: {  	s17 =	sld [smem:$0x3FFB];
	_ =	sdelay $0x3  }
0x92: {  	_ =	strace s17  }
0x93: {  	s2 =	sld [smem:$0x3FFC];
	_ =	sdelay $0x3  }
0x94: {  	_ =	strace s2  }
0x95: {  	s2 =	sld [smem:$0x3FFD];
	_ =	sdelay $0x3  }
0x96: {  	_ =	strace s2  }
0x97: {  	_ =	strace $0x8FFFFFFF  }
0x98: {  	s18 =	sld [smem:$0x3FDB];
	_ =	sdelay $0x1  }
0x99: {  	s19 =	simm.s32 $_scs_section_size  }
0x9a: {  	s4 =	simm.s32 $_size__tile_overlayer_lowered;
	s5 =	simm.s32 $_tile_overlayer_lowered  }
0x9b: {  	s22 =	simm.s32 $0x1BFF;
	s21 =	sshll.u32 s5, $0x1;
	s2 =	sadd.s32 s19, s18  }
0x9c: {  	s6 =	simm.s32 $0x0;
	s20 =	sshll.u32 s4, $0x1;
	s4 =	sadd.s32 s21, s2  }
0x9d: {  	[timem:s6], [sflag:s22] =	dma.local [hbm:s4], s20  }
0x9e: {  	_ =	swait.ge [sflag:s22], s20  }
0x9f: {  	s3 =	ssub.s32 $0x0, s20;
	[sflag:s22] =	ssyncset.done $0x0  }
0xa0: {  	[sflag:s22] =	ssyncadd.s32 s3;
	_ =	sdelay $0x1  }
0xa1: {  	s23 =	simm.s32 $0x1B8B  }
0xa2: {  	_ =	swait.ge [sflag:s23], $0x1  }
0xa3: {  	[sflag:s23] =	ssyncset.done $0x0  }
0xa4: {  	s25 =	simm.s32 $0x1B8E;
	s24 =	sld [smem:$0x3FFE];
	[sflag:s23] =	ssyncadd.s32 $0xFFFFFFFF  }
0xa5: {  	s26 =	simm.s32 $execute0_lowered;
	[smem:$0x3FD2] =	sst s25  }
0xa6: {  	s4 =	sshll.u32 s26, $0x1;
	_ =	strace $0x80000046;
	[dreg:$0x1] =	wrdreg $0xFFFFFFFF  }
0xa7: {  	s28 =	simm.s32 $_size_execute0_lowered;
	s2 =	sadd.s32 s2, s4;
	[dreg:$0x0] =	wrdreg $0x0  }
0xa8: {  	s4 =	sshll.u32 s28, $0x1;
	[dreg:$0x2] =	wrdreg s2  }
0xa9: {  	[dreg:$0x3] =	wrdreg s4  }
0xaa: {  	[dreg:$0x4] =	wrdreg $0xC0  }
0xab: {  	_ =	task [dreg:s6], $0x5FFFF  }
0xac: {  	[dreg:$0x1] =	wrdreg $0xFFFFFFFF  }
0xad: {  	[dreg:$0x0] =	wrdreg $0x60  }
0xae: {  	[dreg:$0x2] =	wrdreg s24  }
0xaf: {  	[dreg:$0x3] =	wrdreg $0x9  }
0xb0: {  	_ =	task.clear_ibuf [dreg:s6], $0x4FFFF;
	_ =	strace $0x90000046  }
0xb1: {  	s29 =	simm.s32 $0x9;
	_ =	strace $0x80000048  }
0xb2: {  	_ =	swait.ge [sflag:s29], $0x1  }
0xb3: {  	[sflag:s29] =	ssyncadd.s32 $0xFFFFFFFF  }
0xb4: {  	_ =	strace $0x90000048  }
0xb5: {  	_ =	sfence  }
0xb6: {  	s30 =	sld [smem:$0x0];
	_ =	sdelay $0x2  }
0xb7: {  	s31 =	sshll.u32 s1, $0xD;
	s1 =	sshrl.u32 s1, $0x2  }
0xb8: {  	s3 =	sand.u32 $0x4000, s31;
	s1 =	sadd.s32 s1, s30  }
0xb9: {  	s0 =	sor.u32 s3, s0;
	s1 =	sshll.u32 s1, $0x11  }
0xba: {  	s0 =	sor.u32 s1, s0  }
0xbb: {  	s0 =	sadd.s32 $0x8F2B, s0  }
0xbc: {  	[sflag:s0] =	ssyncadd.remote.s32 $0x1  }
0xbd: {  	_ =	sfence.sel $0xFFFF  }
0xbe: {  	[dreg:$0x0] =	wrdreg $0xFFFFFFFF;
	(pc) =	sbr.abs _section_cstart, $3  }
0xbf: {  	[dreg:$0x1] =	wrdreg $0xFFFFFFFF  }
0xc0: {  	_ =	task.clear_ibuf [dreg:s6], $0x2FFFF;
	_ =	strace $0x9FFFFFFF  }
0xc1: {  	(tm) =	ssettm $0x7FFFFFFF  }
tec
execute0_lowered:
.L_overlay_start_1:
0x0: {  	(tag) =	ssettag $0x1  }
0x1: {  	s1 =	srdreg.scid  }
0x2: {  	s0 =	stileid.u32;
	s4 =	rddreg [dreg:$0x0]  }
0x3: {  	s2 =	simm.s32 $0x0;
	s8 =	simm.s32 $0xC8;
	s9 =	simm.s32 $0x6400  }
0x4: {  	s10 =	simm.s32 $0x9600;
	s11 =	simm.s32 $0x190;
	s12 =	simm.s32 $0xC800  }
0x5: {  	s13 =	simm.s32 $0x258;
	s14 =	simm.s32 $0xFA00;
	s15 =	simm.s32 $0x1  }
0x6: {  	s16 =	simm.s32 $0x2;
	s17 =	simm.s32 $0x3;
	s18 =	simm.s32 $0x4  }
0x7: {  	s19 =	simm.s32 $0x12C00;
	s20 =	simm.s32 $0x0;
	s3 =	sand.u32 $0x1, s1  }
0x8: {  	s5 =	sshll.u32 s0, $0x8;
	[smem:$0x7FF] =	sst s2;
	s6 =	sshll.u32 s3, $0x7  }
0x9: {  	s1 =	rddreg [dreg:$0x1];
	_ =	strace $0x80000047;
	s5 =	sor.u32 s6, s5  }
0xa: {  	s7 =	ssub.s32 $0x2, s3;
	s6 =	smul.u32 $0x19, s5;
	s5 =	sshll.u32 s5, $0x3  }
0xb: {  	s3 =	sadd.s32 $0x187600, s4;
	s31 =	sshrl.u32 s7, $0x1;
	s5 =	sadd.s32 s5, s4  }
0xc: {  	s7 =	ssub.s32 s7, s31;
	s6 =	sadd.s32 s6, s4;
	s5 =	sadd.s32 $0x19C00, s5  }
0xd: {  	s4 =	sadd.s32 $0xC00, s6;
	s6 =	smax.u32 s7, $0x1;
	s7 =	simm.s32 $0x5  }
.LBB2_1:
0xe: {  	[tilespmem:s2], [sflag:$0x5] =	stream.linear.gather [hbm4b:s4+s2], $0x6400, $0x38;
	[tilespmem:$0x14C00] =	vst v63  }
0xf: {  	_ =	swait.ge [sflag:s7], $0x6400  }
0x10: {  	[sflag:s7] =	ssyncset.done $0x0  }
0x11: {  	[sflag:s7] =	ssyncadd.s32 $0xFFFF9C00  }
0x12: {  	[tilespmem:s9], [sflag:$0x1] =	stream.indirect.gather [hbm4b:s3+s8], $0x40, s2, s8, $0xb8;
	[tilespmem:$0x14C00] =	vst v63  }
0x13: {  	_ = 	snop  }
0x14: {  	[tilespmem:s10], [sflag:$0x2] =	stream.indirect.gather [hbm4b:s3+s8], $0x40, s8, s8, $0xb8;
	[tilespmem:$0x14C00] =	vst v63  }
0x15: {  	_ = 	snop  }
0x16: {  	[tilespmem:s12], [sflag:$0x3] =	stream.indirect.gather [hbm4b:s3+s8], $0x40, s11, s8, $0xb8;
	[tilespmem:$0x14C00] =	vst v63  }
0x17: {  	s21 =	simm.s32 $0x0;
	s22 =	simm.s32 $0x0  }
0x18: {  	[tilespmem:s14], [sflag:$0x4] =	stream.indirect.gather [hbm4b:s3+s8], $0x40, s13, s8, $0xb8;
	[tilespmem:$0x14C00] =	vst v63  }
.LBB2_2:
0x19: {  	s23 =	sand.u32 $0x3, s21;
	s24 =	sand.u32 $0x3, s22  }
0x1a: {  	s25 =	smul.u32 $0xC800, s23;
	s23 =	sadd.s32 $0x1, s24  }
0x1b: {  	_ =	swait.ge [sflag:s23], $0x3200  }
0x1c: {  	s25 =	sshrl.u32 s25, $0x2;
	[sflag:s23] =	ssyncset.done $0x0  }
0x1d: {  	s26 =	sadd.s32 $0x6440, s25;
	[sflag:s23] =	ssyncadd.s32 $0xFFFFCE00  }
0x1e: {  	v0 =	vld [tilespmem:s26+$0x30]  }
0x1f: {  	v2 =	vld [tilespmem:s26+$0xFFFFFFD0]  }
0x20: {  	v5 =	vld [tilespmem:s26+$0xFFFFFFE0]  }
0x21: {  	v4 =	vld [tilespmem:s26+$0xFFFFFFF0]  }
0x22: {  	s24 =	smul.u32 $0xC800, s24;
	v7 =	vld [tilespmem:s26+$0x0]  }
0x23: {  	v1 =	vimm.f32 $0.0e+00;
	v9 =	vimm.f32 $0.0e+00;
	v6 =	vld [tilespmem:s26+$0x10]  }
0x24: {  	v8 =	vimm.f32 $0.0e+00;
	v11 =	vimm.f32 $0.0e+00;
	s24 =	sshrl.u32 s24, $0x2;
	v10 =	vld [tilespmem:s26+$0x20];
	v0 =	vadd.f32 v0, v1  }
0x25: {  	s24 =	sadd.s32 $0x6400, s24;
	s25 =	simm.s32 $0x0;
	v12 =	vld [tilespmem:s26+$0xFFFFFFC0];
	s26 =	sadd.s32 $0x80, s26;
	v3 =	vadd.f32 v2, v1;
	v2 =	vadd.f32 v5, v1;
	v5 =	vimm.f32 $0.0e+00  }
.LBB2_3:
0x26: {  	v13 =	vld [tilespmem:s26+$0x30];
	s25 =	sadd.s32 $0x2, s25;
	v1 =	vadd.f32 v4, v1  }
0x27: {  	v14 =	vld [tilespmem:s26+$0xFFFFFFD0];
	p0 =	slt.u32 s25, $0xC6;
	v5 =	vadd.f32 v7, v5  }
0x28: {  	v15 =	vld [tilespmem:s26+$0xFFFFFFE0];
	v9 =	vadd.f32 v6, v9  }
.Ltmp0:
0x29: {  	v4 =	vld [tilespmem:s26+$0xFFFFFFF0];
	v8 =	vadd.f32 v10, v8;
	(pc) =	sbr.rel @p0 .LBB2_3-.Ltmp0, $4  }
0x2a: {  	v7 =	vld [tilespmem:s26+$0x0];
	v11 =	vadd.f32 v12, v11  }
0x2b: {  	v6 =	vld [tilespmem:s26+$0x10];
	v0 =	vadd.f32 v13, v0  }
0x2c: {  	v3 =	vadd.f32 v14, v3;
	v10 =	vld [tilespmem:s26+$0x20]  }
0x2d: {  	v12 =	vld [tilespmem:s26+$0xFFFFFFC0];
	v2 =	vadd.f32 v15, v2;
	s26 =	sadd.s32 $0x80, s26  }
0x2e: {  	p0 =	slt.s32 s22, $0x7B;
	s25 =	smov.u32 s22  }
0x2f: {  	s25 =	simm.s32 @!p0 $0x7B  }
0x30: {  	v1 =	vadd.f32 v4, v1;
	s25 =	smul.u32 $0x320, s25  }
0x31: {  	v5 =	vadd.f32 v7, v5;
	v6 =	vadd.f32 v6, v9  }
0x32: {  	s31 =	sshll.u32 s22, $0x6;
	s22 =	sadd.s32 $0x1, s22;
	v0 =	vadd.f32 v0, v1;
	v8 =	vadd.f32 v10, v8;
	s25 =	sshra.s32 s25, $0x2  }
0x33: {  	p0 =	sne.s32 s22, $0x80;
	v61 =	vadd.f32 v12, v11;
	v3 =	vadd.f32 v6, v3;
	s25 =	sadd.s32 $0x320, s25  }
0x34: {  	v0 =	vmul.f32 $4.999999890e-03, v0;
	v2 =	vadd.f32 v8, v2;
	[tilespmem:s24], [sflag:s23] =	stream.indirect.gather [hbm4b:s3+s8], $0x40, s25, s8, $0xb8;
	[tilespmem:$0x14C00] =	vst v63  }
.Ltmp1:
0x35: {  	v5 =	vadd.f32 v5, v61;
	s23 =	sand.u32 $0x3FFFFFC0, s31;
	v3 =	vmul.f32 $4.999999890e-03, v3;
	(pc) =	sbr.rel @p0 .LBB2_2-.Ltmp1, $4  }
0x36: {  	v63 =	vmul.f32 $4.999999890e-03, v2;
	[tilespmem:s23+$0x12C30] =	vst v0  }
0x37: {  	v62 =	vmul.f32 $4.999999890e-03, v5;
	[tilespmem:s23+$0x12C10] =	vst v3  }
0x38: {  	[tilespmem:s23+$0x12C20] =	vst v63  }
0x39: {  	s21 =	sadd.s32 $0x1, s21;
	[tilespmem:s23+$0x12C00] =	vst v62  }
0x3a: {  	_ =	swait.ge [sflag:s15], $0x3200  }
0x3b: {  	[sflag:s15] =	ssyncset.done $0x0  }
0x3c: {  	[sflag:s15] =	ssyncadd.s32 $0xFFFFCE00  }
0x3d: {  	_ =	swait.ge [sflag:s16], $0x3200  }
0x3e: {  	[sflag:s16] =	ssyncset.done $0x0  }
0x3f: {  	[sflag:s16] =	ssyncadd.s32 $0xFFFFCE00  }
0x40: {  	_ =	swait.ge [sflag:s17], $0x3200  }
0x41: {  	[sflag:s17] =	ssyncset.done $0x0  }
0x42: {  	[sflag:s17] =	ssyncadd.s32 $0xFFFFCE00  }
0x43: {  	s20 =	sadd.s32 $0x1, s20;
	_ =	swait.ge [sflag:s18], $0x3200  }
0x44: {  	p0 =	sne.s32 s20, s6;
	[sflag:s18] =	ssyncset.done $0x0  }
.Ltmp2:
0x45: {  	[sflag:s18] =	ssyncadd.s32 $0xFFFFCE00;
	(pc) =	sbr.rel @p0 .LBB2_1-.Ltmp2, $4  }
0x46: {  	[hbm4b:s5+s2] =	stream.linear.scatter [tilespmem:s19], [sflag:$0x5], $0x2000, $0x38;
	[tilespmem:$0x14C00] =	vst v63  }
0x47: {  	_ =	swait.ge [sflag:s7], $0x2000  }
0x48: {  	[sflag:s7] =	ssyncset.done $0x0  }
0x49: {  	[sflag:s7] =	ssyncadd.s32 $0xFFFFE000  }
0x4a: {  	_ =	sfence.sel $0x180000  }
0x4b: {  	[bflag:$0x0] =	sbarrier.arrive $0xFFFF  }
0x4c: {  	p0 =	sne.s32 s0, $0x0;
	_ =	strace $0x90000047  }
0x4d: {  	s0 =	sadd.s32 @!p0 $0x100000, s1;
	[bflag:$0x2] =	sbarrier.arrive $0xFFFF  }
0x4e: {  	[sflag:s0] =	ssyncadd.tile.s32 @!p0 $0x1;
	_ =	shalt  }
.Lfunc_end2:
_tile_overlayer_lowered:
.L_overlay_start_2:
0x4f: {  	(tag) =	ssettag $0x2  }
0x50: {  	s0 =	rddreg [dreg:$0x0];
	s2 =	stileid.u32  }
0x51: {  	s1 =	rddreg [dreg:$0x1];
	p0 =	sne.s32 s2, $0x0  }
0x52: {  	s3 =	rddreg [dreg:$0x2];
	[bflag:$0x3] =	sbarrier.arrive $0xFFFF;
	s2 =	simm.s32 @!p0 $0x1C05  }
0x53: {  	[timem:s3], [sflag:s2] =	dma.local @!p0 [hbm:s0], s1  }
0x54: {  	s0 =	simm.s32 @!p0 $0x5  }
0x55: {  	_ =	swait.ge @!p0 [sflag:s0], s1  }
0x56: {  	s1 =	ssub.s32 @!p0 $0x0, s1;
	[sflag:s0] =	ssyncset.done @!p0 $0x0  }
0x57: {  	[sflag:s0] =	ssyncadd.s32 @!p0 s1  }
0x58: {  	[bflag:$0x3] =	sbarrier.arrive $0xFFFF  }
0x59: {  	_ =	shalt  }

</sc_bundles>
